<compile_context>
chip_gen: v7x
topology: tpu7x:2x2x1
jax: 0.10.2.dev20260603
libtpu: 0.0.44.dev20260713+nightly
codegen_flags: <defaults>
</compile_context>

<pallas_src>
import jax
import jax.numpy as jnp
from jax import lax
from jax.experimental import pallas as pl
from jax.experimental.pallas import tpu as pltpu
from jax.experimental.pallas import tpu_sc as plsc

_N = 100000
_G = 256
_NC = 2
_NS = 16
_NW = _NC * _NS
_CHUNK = 3136
_VECS = _CHUNK // 16
_SKIP = (_NW * _CHUNK - _N) // 16
_ROW = _G + 1
_ACC = 16 * _ROW
_EPS = 1e-8

_sc_mesh = plsc.VectorSubcoreMesh(core_axis_name="c", subcore_axis_name="s")


def _sc_body(np_hbm, idx_hbm, out_hbm, np_v, idx_v, acc_v, red_v, sem0, sem1):
    c = lax.axis_index("c")
    s = lax.axis_index("s")
    wid = s * _NC + c
    base = jnp.minimum(wid * _CHUNK, _N - _CHUNK)
    cp0 = pltpu.async_copy(np_hbm.at[pl.ds(base, _CHUNK)], np_v, sem0)
    cp1 = pltpu.async_copy(idx_hbm.at[pl.ds(base, _CHUNK)], idx_v, sem1)
    zero = jnp.zeros((16,), jnp.float32)

    @plsc.parallel_loop(0, _ACC // 16, step=1, unroll=8)
    def _(j):
        acc_v[pl.ds(j * 16, 16)] = zero

    cp0.wait()
    cp1.wait()

    @pl.when(wid == _NW - 1)
    def _():
        dump = jnp.full((16,), _G, jnp.int32)

        @plsc.parallel_loop(0, _SKIP, step=1, unroll=2)
        def _(j):
            idx_v[pl.ds(j * 16, 16)] = dump

    lane_off = lax.iota(jnp.int32, 16) * _ROW

    @plsc.parallel_loop(0, _VECS, step=1, unroll=7)
    def _(i):
        o = i * 16
        v = np_v[pl.ds(o, 16)]
        raw = jnp.exp(v + _EPS) - 1.0
        addr = idx_v[pl.ds(o, 16)] + lane_off
        plsc.addupdate_scatter(acc_v, [addr], raw)

    @plsc.parallel_loop(0, _G // 16, step=1, unroll=1)
    def _(g):
        o = g * 16
        t = acc_v[pl.ds(o, 16)]
        for l in range(1, 16):
            t = t + acc_v[pl.ds(l * _ROW + o, 16)]
        red_v[pl.ds(o, 16)] = t

    pltpu.sync_copy(red_v, out_hbm.at[wid])


_sc_pass = pl.kernel(
    _sc_body,
    out_type=jax.ShapeDtypeStruct((_NW, _G), jnp.float32),
    mesh=_sc_mesh,
    scratch_types=[
        pltpu.VMEM((_CHUNK,), jnp.float32),
        pltpu.VMEM((_CHUNK,), jnp.int32),
        pltpu.VMEM((_ACC,), jnp.float32),
        pltpu.VMEM((_G,), jnp.float32),
        pltpu.SemaphoreType.DMA,
        pltpu.SemaphoreType.DMA,
    ],
    compiler_params=pltpu.CompilerParams(needs_layout_passes=False),
)


def _mse_body(np_ref, nt_ref, gp_ref, gt_ref, sq_ref, gl_ref):
    d = np_ref[...] - nt_ref[...]
    sq_ref[...] = jnp.broadcast_to(jnp.sum(d * d), (1,))
    g = gp_ref[...] - gt_ref[...]
    gl_ref[...] = jnp.broadcast_to(jnp.sum(g * g), (1,))


_tc_mse = pl.pallas_call(
    _mse_body,
    out_shape=[jax.ShapeDtypeStruct((1,), jnp.float32)] * 2,
    out_specs=[pl.BlockSpec(memory_space=pltpu.VMEM)] * 2,
)


def _tc_combine_body(part_ref, gp_ref, sq_ref, gl_ref, ec_ref, total_ref,
                     node_ref, glob_ref, cons_ref):
    part = part_ref[...]
    seg = jnp.sum(part, axis=0)
    gp = gp_ref[...]
    nsl = jnp.log1p(seg + _EPS)
    cons = jnp.sum((nsl - gp) ** 2) / _G
    gl = jnp.sum(gl_ref[...]) / _G
    nl = jnp.sum(sq_ref[...]) / _N
    flag = ec_ref[0] != 0
    total_ref[0] = nl + gl + jnp.where(flag, 0.1 * cons, 0.0)
    node_ref[0] = nl
    glob_ref[0] = gl
    cons_ref[0] = jnp.where(flag, cons, 0.0)


_tc_combine = pl.pallas_call(
    _tc_combine_body,
    out_shape=[jax.ShapeDtypeStruct((1,), jnp.float32)] * 4,
    in_specs=[
        pl.BlockSpec(memory_space=pltpu.VMEM),
        pl.BlockSpec(memory_space=pltpu.VMEM),
        pl.BlockSpec(memory_space=pltpu.VMEM),
        pl.BlockSpec(memory_space=pltpu.VMEM),
        pl.BlockSpec(memory_space=pltpu.SMEM),
    ],
    out_specs=[pl.BlockSpec(memory_space=pltpu.SMEM)] * 4,
)


def kernel(node_pred, node_target, global_pred, global_target, batch_idx,
           enable_consistency=1):
    idx = batch_idx.astype(jnp.int32)
    ec = jnp.asarray(enable_consistency, jnp.int32).reshape(1)
    part = _sc_pass(node_pred, idx)
    sq, gl = _tc_mse(node_pred, node_target, global_pred, global_target)
    total, node, glob, cons = _tc_combine(part, global_pred, sq, gl, ec)
    return (total[0], node[0], glob[0], cons[0])

# --- scband reference (transcript-rebuilt; emitter-appended) ---
"""Pipeline reference for scband-dual-regression-loss-79766132621915 (READ-ONLY COPY).

The authoritative reference and input builder live on the scoring server;
editing this copy changes nothing except your own understanding.
"""

import jax, jax.numpy as jnp
import numpy as np

NUM_GRAPHS = 256
NODE_W = 1.0
GLOBAL_W = 1.0
CONS_W = 0.1

def setup_inputs(seed: int = 0) -> dict:
    key = jax.random.key(seed)
    k1, k2, k3, k4, k5 = jax.random.split(key, 5)
    node_pred = jax.random.normal(k1, (100000,), dtype=jnp.float32)
    node_target = jax.random.normal(k2, (100000,), dtype=jnp.float32)
    global_pred = jax.random.normal(k3, (NUM_GRAPHS,), dtype=jnp.float32)
    global_target = jax.random.normal(k4, (NUM_GRAPHS,), dtype=jnp.float32)
    batch_idx = jnp.sort(jax.random.randint(k5, (100000,), 0, NUM_GRAPHS, dtype=jnp.int64))
    return {"node_pred": node_pred, "node_target": node_target, "global_pred": global_pred, "global_target": global_target, "batch_idx": batch_idx, "enable_consistency": 1}

def reference(node_pred, node_target, global_pred, global_target, batch_idx, enable_consistency=1):
    node_loss = jnp.mean((node_pred - node_target) ** 2)
    global_loss = jnp.mean((global_pred - global_target) ** 2)
    zero_cons = jnp.zeros((1,), dtype=node_pred.dtype)[0]
    eps = 1e-08
    node_raw = jnp.expm1(node_pred + eps)
    node_sum_raw = jax.ops.segment_sum(node_raw, batch_idx, num_segments=NUM_GRAPHS)
    node_sum_log = jnp.log1p(node_sum_raw + eps)
    cons_on = jnp.mean((node_sum_log - global_pred) ** 2)
    flag = jnp.asarray(enable_consistency) != 0
    consistency_loss = jnp.where(flag, cons_on, zero_cons)
    total_with = NODE_W * node_loss + GLOBAL_W * global_loss + CONS_W * cons_on
    total_without = NODE_W * node_loss + GLOBAL_W * global_loss
    total_loss = jnp.where(flag, total_with, total_without)
    return (total_loss, node_loss, global_loss, consistency_loss)

if __name__ == "__main__":
    import jax
    _d = setup_inputs()
    print(jax.jit(kernel)(*tuple(_d.values())))

</pallas_src>

<mosaic_0001>
#map = affine_map<(d0, d1) -> (0)>
#map1 = affine_map<(d0, d1) -> (0, 0)>
module attributes {stable_mosaic.version = 14 : i64} {
  func.func @_sc_body(%arg0: i32, %arg1: i32, %arg2: memref<100000xf32, #tpu.memory_space<hbm>>, %arg3: memref<100000xi32, #tpu.memory_space<hbm>>, %arg4: memref<32x256xf32, #tpu.memory_space<hbm>>, %arg5: memref<3136xf32, #tpu.memory_space<vmem>>, %arg6: memref<3136xi32, #tpu.memory_space<vmem>>, %arg7: memref<4112xf32, #tpu.memory_space<vmem>>, %arg8: memref<256xf32, #tpu.memory_space<vmem>>, %arg9: memref<!tpu.dma_semaphore, #tpu.memory_space<semaphore_mem>>, %arg10: memref<!tpu.dma_semaphore, #tpu.memory_space<semaphore_mem>>) attributes {dimension_semantics = [#tpu.dimension_semantics<core_parallel>, #tpu.dimension_semantics<subcore_parallel>], iteration_bounds = array<i64: 2, 16>, scalar_prefetch = 0 : i64, scratch_operands = 6 : i64, tpu.core_type = #tpu.core_type<sc_vector_subcore>, window_params = [{transform_indices = #map}, {transform_indices = #map}, {transform_indices = #map1}]} {
    %mul3A = arith.constant 2 : i32
    %mul3A_0 = arith.muli %arg1, %mul3A : i32
    %add3A = arith.addi %mul3A_0, %arg0 : i32
    %mul3A_1 = arith.constant 3136 : i32
    %mul3A_2 = arith.muli %add3A, %mul3A_1 : i32
    %min3A = arith.constant 96864 : i32
    %min3A_3 = arith.minsi %mul3A_2, %min3A : i32
    %dma_start3A = tpu.memref_slice %arg2[%min3A_3] : memref<100000xf32, #tpu.memory_space<hbm>> -> memref<3136xf32, #tpu.memory_space<hbm>>
    %dma_start3A_4 = tpu.memref_slice %arg2[%min3A_3] : memref<100000xf32, #tpu.memory_space<hbm>> -> memref<3136xf32, #tpu.memory_space<hbm>>
    tpu.enqueue_dma source(%dma_start3A_4 : memref<3136xf32, #tpu.memory_space<hbm>>) target(%arg5 : memref<3136xf32, #tpu.memory_space<vmem>>) target_semaphore(%arg9 : memref<!tpu.dma_semaphore, #tpu.memory_space<semaphore_mem>>)
    %dma_start3A_5 = tpu.memref_slice %arg3[%min3A_3] : memref<100000xi32, #tpu.memory_space<hbm>> -> memref<3136xi32, #tpu.memory_space<hbm>>
    %dma_start3A_6 = tpu.memref_slice %arg3[%min3A_3] : memref<100000xi32, #tpu.memory_space<hbm>> -> memref<3136xi32, #tpu.memory_space<hbm>>
    tpu.enqueue_dma source(%dma_start3A_6 : memref<3136xi32, #tpu.memory_space<hbm>>) target(%arg6 : memref<3136xi32, #tpu.memory_space<vmem>>) target_semaphore(%arg10 : memref<!tpu.dma_semaphore, #tpu.memory_space<semaphore_mem>>)
    %broadcast_in_dim3A = arith.constant 0.000000e+00 : f32
    %broadcast_in_dim3A_7 = vector.broadcast %broadcast_in_dim3A : f32 to vector<16xf32>
    %parallel_loop3A = arith.constant 0 : i32
    %parallel_loop3A_8 = arith.constant 257 : i32
    %parallel_loop3A_9 = arith.constant 1 : i32
    scf.for %parallel_loop3A_24 = %parallel_loop3A to %parallel_loop3A_8 step %parallel_loop3A_9  : i32 {
      %parallel_loop3A_25 = arith.constant 16 : i32
      %parallel_loop3A_26 = arith.muli %parallel_loop3A_24, %parallel_loop3A_25 : i32
      %parallel_loop3A_27 = arith.index_cast %parallel_loop3A_26 : i32 to index
      %parallel_loop3A_28 = tpu.vector_load %arg7[%parallel_loop3A_27] {strides = array<i32>} : memref<4112xf32, #tpu.memory_space<vmem>>, vector<16xf32>,
      tpu.vector_store %arg7[%parallel_loop3A_27], %broadcast_in_dim3A_7 {strides = array<i32>} : memref<4112xf32, #tpu.memory_space<vmem>>, vector<16xf32>,
    } {sc.loop_unroll_factor = 8 : i64, sc.parallel_access}
    %dma_wait3A = tpu.memref_slice %arg2[%min3A_3] : memref<100000xf32, #tpu.memory_space<hbm>> -> memref<3136xf32, #tpu.memory_space<hbm>>
    %dma_wait3A_10 = tpu.memref_slice %arg2[%min3A_3] : memref<100000xf32, #tpu.memory_space<hbm>> -> memref<3136xf32, #tpu.memory_space<hbm>>
    tpu.wait_dma2 semaphore(%arg9 : memref<!tpu.dma_semaphore, #tpu.memory_space<semaphore_mem>>) src(%dma_wait3A_10 : memref<3136xf32, #tpu.memory_space<hbm>>) dst(%arg5 : memref<3136xf32, #tpu.memory_space<vmem>>)
    %dma_wait3A_11 = tpu.memref_slice %arg3[%min3A_3] : memref<100000xi32, #tpu.memory_space<hbm>> -> memref<3136xi32, #tpu.memory_space<hbm>>
    %dma_wait3A_12 = tpu.memref_slice %arg3[%min3A_3] : memref<100000xi32, #tpu.memory_space<hbm>> -> memref<3136xi32, #tpu.memory_space<hbm>>
    tpu.wait_dma2 semaphore(%arg10 : memref<!tpu.dma_semaphore, #tpu.memory_space<semaphore_mem>>) src(%dma_wait3A_12 : memref<3136xi32, #tpu.memory_space<hbm>>) dst(%arg6 : memref<3136xi32, #tpu.memory_space<vmem>>)
    %eq3A = arith.constant 31 : i32
    %eq3A_13 = arith.cmpi eq, %add3A, %eq3A : i32
    %convert_element_type3A = arith.extui %eq3A_13 : i1 to i32
    %cond3A = arith.constant 0 : i32
    %cond3A_14 = arith.cmpi ne, %convert_element_type3A, %cond3A : i32
    scf.if %cond3A_14 {
      %broadcast_in_dim3A_24 = arith.constant 256 : i32
      %broadcast_in_dim3A_25 = vector.broadcast %broadcast_in_dim3A_24 : i32 to vector<16xi32>
      %parallel_loop3A_26 = arith.constant 0 : i32
      %parallel_loop3A_27 = arith.constant 22 : i32
      %parallel_loop3A_28 = arith.constant 1 : i32
      scf.for %parallel_loop3A_29 = %parallel_loop3A_26 to %parallel_loop3A_27 step %parallel_loop3A_28  : i32 {
        %parallel_loop3A_30 = arith.constant 16 : i32
        %parallel_loop3A_31 = arith.muli %parallel_loop3A_29, %parallel_loop3A_30 : i32
        %parallel_loop3A_32 = arith.index_cast %parallel_loop3A_31 : i32 to index
        %parallel_loop3A_33 = tpu.vector_load %arg6[%parallel_loop3A_32] {strides = array<i32>} : memref<3136xi32, #tpu.memory_space<vmem>>, vector<16xi32>,
        tpu.vector_store %arg6[%parallel_loop3A_32], %broadcast_in_dim3A_25 {strides = array<i32>} : memref<3136xi32, #tpu.memory_space<vmem>>, vector<16xi32>,
      } {sc.loop_unroll_factor = 2 : i64, sc.parallel_access}
    } else {
    }
    %iota3A = tpu.iota {dimensions = array<i32: 0>} : vector<16xi32>
    %mul3A_15 = arith.constant 257 : i32
    %mul3A_16 = vector.broadcast %mul3A_15 : i32 to vector<16xi32>
    %mul3A_17 = arith.muli %iota3A, %mul3A_16 : vector<16xi32>
    %parallel_loop3A_18 = arith.constant 0 : i32
    %parallel_loop3A_19 = arith.constant 196 : i32
    %parallel_loop3A_20 = arith.constant 1 : i32
    scf.for %parallel_loop3A_24 = %parallel_loop3A_18 to %parallel_loop3A_19 step %parallel_loop3A_20  : i32 {
      %parallel_loop3A_25 = arith.constant 16 : i32
      %parallel_loop3A_26 = arith.muli %parallel_loop3A_24, %parallel_loop3A_25 : i32
      %parallel_loop3A_27 = arith.index_cast %parallel_loop3A_26 : i32 to index
      %parallel_loop3A_28 = tpu.vector_load %arg5[%parallel_loop3A_27] {strides = array<i32>} : memref<3136xf32, #tpu.memory_space<vmem>>, vector<16xf32>,
      %parallel_loop3A_29 = arith.constant 9.99999993E-9 : f32
      %parallel_loop3A_30 = vector.broadcast %parallel_loop3A_29 : f32 to vector<16xf32>
      %parallel_loop3A_31 = arith.addf %parallel_loop3A_28, %parallel_loop3A_30 : vector<16xf32>
      %parallel_loop3A_32 = math.exp %parallel_loop3A_31 : vector<16xf32>
      %parallel_loop3A_33 = arith.constant 1.000000e+00 : f32
      %parallel_loop3A_34 = vector.broadcast %parallel_loop3A_33 : f32 to vector<16xf32>
      %parallel_loop3A_35 = arith.subf %parallel_loop3A_32, %parallel_loop3A_34 : vector<16xf32>
      %parallel_loop3A_36 = arith.index_cast %parallel_loop3A_26 : i32 to index
      %parallel_loop3A_37 = tpu.vector_load %arg6[%parallel_loop3A_36] {strides = array<i32>} : memref<3136xi32, #tpu.memory_space<vmem>>, vector<16xi32>,
      %parallel_loop3A_38 = arith.addi %parallel_loop3A_37, %mul3A_17 : vector<16xi32>
      tpu.vector_store_idx %arg7[%parallel_loop3A_38], %parallel_loop3A_35 {add = true} : memref<4112xf32, #tpu.memory_space<vmem>>[vector<16xi32>], vector<16xf32>,
    } {sc.loop_unroll_factor = 7 : i64, sc.parallel_access}
    %parallel_loop3A_21 = arith.constant 0 : i32
    %parallel_loop3A_22 = arith.constant 16 : i32
    %parallel_loop3A_23 = arith.constant 1 : i32
    scf.for %parallel_loop3A_24 = %parallel_loop3A_21 to %parallel_loop3A_22 step %parallel_loop3A_23  : i32 {
      %parallel_loop3A_25 = arith.constant 16 : i32
      %parallel_loop3A_26 = arith.muli %parallel_loop3A_24, %parallel_loop3A_25 : i32
      %parallel_loop3A_27 = arith.index_cast %parallel_loop3A_26 : i32 to index
      %parallel_loop3A_28 = tpu.vector_load %arg7[%parallel_loop3A_27] {strides = array<i32>} : memref<4112xf32, #tpu.memory_space<vmem>>, vector<16xf32>,
      %parallel_loop3A_29 = arith.constant 257 : i32
      %parallel_loop3A_30 = arith.addi %parallel_loop3A_29, %parallel_loop3A_26 : i32
      %parallel_loop3A_31 = arith.index_cast %parallel_loop3A_30 : i32 to index
      %parallel_loop3A_32 = tpu.vector_load %arg7[%parallel_loop3A_31] {strides = array<i32>} : memref<4112xf32, #tpu.memory_space<vmem>>, vector<16xf32>,
      %parallel_loop3A_33 = arith.addf %parallel_loop3A_28, %parallel_loop3A_32 : vector<16xf32>
      %parallel_loop3A_34 = arith.constant 514 : i32
      %parallel_loop3A_35 = arith.addi %parallel_loop3A_34, %parallel_loop3A_26 : i32
      %parallel_loop3A_36 = arith.index_cast %parallel_loop3A_35 : i32 to index
      %parallel_loop3A_37 = tpu.vector_load %arg7[%parallel_loop3A_36] {strides = array<i32>} : memref<4112xf32, #tpu.memory_space<vmem>>, vector<16xf32>,
      %parallel_loop3A_38 = arith.addf %parallel_loop3A_33, %parallel_loop3A_37 : vector<16xf32>
      %parallel_loop3A_39 = arith.constant 771 : i32
      %parallel_loop3A_40 = arith.addi %parallel_loop3A_39, %parallel_loop3A_26 : i32
      %parallel_loop3A_41 = arith.index_cast %parallel_loop3A_40 : i32 to index
      %parallel_loop3A_42 = tpu.vector_load %arg7[%parallel_loop3A_41] {strides = array<i32>} : memref<4112xf32, #tpu.memory_space<vmem>>, vector<16xf32>,
      %parallel_loop3A_43 = arith.addf %parallel_loop3A_38, %parallel_loop3A_42 : vector<16xf32>
      %parallel_loop3A_44 = arith.constant 1028 : i32
      %parallel_loop3A_45 = arith.addi %parallel_loop3A_44, %parallel_loop3A_26 : i32
      %parallel_loop3A_46 = arith.index_cast %parallel_loop3A_45 : i32 to index
      %parallel_loop3A_47 = tpu.vector_load %arg7[%parallel_loop3A_46] {strides = array<i32>} : memref<4112xf32, #tpu.memory_space<vmem>>, vector<16xf32>,
      %parallel_loop3A_48 = arith.addf %parallel_loop3A_43, %parallel_loop3A_47 : vector<16xf32>
      %parallel_loop3A_49 = arith.constant 1285 : i32
      %parallel_loop3A_50 = arith.addi %parallel_loop3A_49, %parallel_loop3A_26 : i32
      %parallel_loop3A_51 = arith.index_cast %parallel_loop3A_50 : i32 to index
      %parallel_loop3A_52 = tpu.vector_load %arg7[%parallel_loop3A_51] {strides = array<i32>} : memref<4112xf32, #tpu.memory_space<vmem>>, vector<16xf32>,
      %parallel_loop3A_53 = arith.addf %parallel_loop3A_48, %parallel_loop3A_52 : vector<16xf32>
      %parallel_loop3A_54 = arith.constant 1542 : i32
      %parallel_loop3A_55 = arith.addi %parallel_loop3A_54, %parallel_loop3A_26 : i32
      %parallel_loop3A_56 = arith.index_cast %parallel_loop3A_55 : i32 to index
      %parallel_loop3A_57 = tpu.vector_load %arg7[%parallel_loop3A_56] {strides = array<i32>} : memref<4112xf32, #tpu.memory_space<vmem>>, vector<16xf32>,
      %parallel_loop3A_58 = arith.addf %parallel_loop3A_53, %parallel_loop3A_57 : vector<16xf32>
      %parallel_loop3A_59 = arith.constant 1799 : i32
      %parallel_loop3A_60 = arith.addi %parallel_loop3A_59, %parallel_loop3A_26 : i32
      %parallel_loop3A_61 = arith.index_cast %parallel_loop3A_60 : i32 to index
      %parallel_loop3A_62 = tpu.vector_load %arg7[%parallel_loop3A_61] {strides = array<i32>} : memref<4112xf32, #tpu.memory_space<vmem>>, vector<16xf32>,
      %parallel_loop3A_63 = arith.addf %parallel_loop3A_58, %parallel_loop3A_62 : vector<16xf32>
      %parallel_loop3A_64 = arith.constant 2056 : i32
      %parallel_loop3A_65 = arith.addi %parallel_loop3A_64, %parallel_loop3A_26 : i32
      %parallel_loop3A_66 = arith.index_cast %parallel_loop3A_65 : i32 to index
      %parallel_loop3A_67 = tpu.vector_load %arg7[%parallel_loop3A_66] {strides = array<i32>} : memref<4112xf32, #tpu.memory_space<vmem>>, vector<16xf32>,
      %parallel_loop3A_68 = arith.addf %parallel_loop3A_63, %parallel_loop3A_67 : vector<16xf32>
      %parallel_loop3A_69 = arith.constant 2313 : i32
      %parallel_loop3A_70 = arith.addi %parallel_loop3A_69, %parallel_loop3A_26 : i32
      %parallel_loop3A_71 = arith.index_cast %parallel_loop3A_70 : i32 to index
      %parallel_loop3A_72 = tpu.vector_load %arg7[%parallel_loop3A_71] {strides = array<i32>} : memref<4112xf32, #tpu.memory_space<vmem>>, vector<16xf32>,
      %parallel_loop3A_73 = arith.addf %parallel_loop3A_68, %parallel_loop3A_72 : vector<16xf32>
      %parallel_loop3A_74 = arith.constant 2570 : i32
      %parallel_loop3A_75 = arith.addi %parallel_loop3A_74, %parallel_loop3A_26 : i32
      %parallel_loop3A_76 = arith.index_cast %parallel_loop3A_75 : i32 to index
      %parallel_loop3A_77 = tpu.vector_load %arg7[%parallel_loop3A_76] {strides = array<i32>} : memref<4112xf32, #tpu.memory_space<vmem>>, vector<16xf32>,
      %parallel_loop3A_78 = arith.addf %parallel_loop3A_73, %parallel_loop3A_77 : vector<16xf32>
      %parallel_loop3A_79 = arith.constant 2827 : i32
      %parallel_loop3A_80 = arith.addi %parallel_loop3A_79, %parallel_loop3A_26 : i32
      %parallel_loop3A_81 = arith.index_cast %parallel_loop3A_80 : i32 to index
      %parallel_loop3A_82 = tpu.vector_load %arg7[%parallel_loop3A_81] {strides = array<i32>} : memref<4112xf32, #tpu.memory_space<vmem>>, vector<16xf32>,
      %parallel_loop3A_83 = arith.addf %parallel_loop3A_78, %parallel_loop3A_82 : vector<16xf32>
      %parallel_loop3A_84 = arith.constant 3084 : i32
      %parallel_loop3A_85 = arith.addi %parallel_loop3A_84, %parallel_loop3A_26 : i32
      %parallel_loop3A_86 = arith.index_cast %parallel_loop3A_85 : i32 to index
      %parallel_loop3A_87 = tpu.vector_load %arg7[%parallel_loop3A_86] {strides = array<i32>} : memref<4112xf32, #tpu.memory_space<vmem>>, vector<16xf32>,
      %parallel_loop3A_88 = arith.addf %parallel_loop3A_83, %parallel_loop3A_87 : vector<16xf32>
      %parallel_loop3A_89 = arith.constant 3341 : i32
      %parallel_loop3A_90 = arith.addi %parallel_loop3A_89, %parallel_loop3A_26 : i32
      %parallel_loop3A_91 = arith.index_cast %parallel_loop3A_90 : i32 to index
      %parallel_loop3A_92 = tpu.vector_load %arg7[%parallel_loop3A_91] {strides = array<i32>} : memref<4112xf32, #tpu.memory_space<vmem>>, vector<16xf32>,
      %parallel_loop3A_93 = arith.addf %parallel_loop3A_88, %parallel_loop3A_92 : vector<16xf32>
      %parallel_loop3A_94 = arith.constant 3598 : i32
      %parallel_loop3A_95 = arith.addi %parallel_loop3A_94, %parallel_loop3A_26 : i32
      %parallel_loop3A_96 = arith.index_cast %parallel_loop3A_95 : i32 to index
      %parallel_loop3A_97 = tpu.vector_load %arg7[%parallel_loop3A_96] {strides = array<i32>} : memref<4112xf32, #tpu.memory_space<vmem>>, vector<16xf32>,
      %parallel_loop3A_98 = arith.addf %parallel_loop3A_93, %parallel_loop3A_97 : vector<16xf32>
      %parallel_loop3A_99 = arith.constant 3855 : i32
      %parallel_loop3A_100 = arith.addi %parallel_loop3A_99, %parallel_loop3A_26 : i32
      %parallel_loop3A_101 = arith.index_cast %parallel_loop3A_100 : i32 to index
      %parallel_loop3A_102 = tpu.vector_load %arg7[%parallel_loop3A_101] {strides = array<i32>} : memref<4112xf32, #tpu.memory_space<vmem>>, vector<16xf32>,
      %parallel_loop3A_103 = arith.addf %parallel_loop3A_98, %parallel_loop3A_102 : vector<16xf32>
      %parallel_loop3A_104 = arith.index_cast %parallel_loop3A_26 : i32 to index
      %parallel_loop3A_105 = tpu.vector_load %arg8[%parallel_loop3A_104] {strides = array<i32>} : memref<256xf32, #tpu.memory_space<vmem>>, vector<16xf32>,
      tpu.vector_store %arg8[%parallel_loop3A_104], %parallel_loop3A_103 {strides = array<i32>} : memref<256xf32, #tpu.memory_space<vmem>>, vector<16xf32>,
    } {sc.loop_unroll_factor = 1 : i64, sc.parallel_access}
    "tpu.region"() ({
      %run_scoped3A = tpu.sem_alloc : memref<!tpu.dma_semaphore, #tpu.memory_space<semaphore_mem>>
      %dma_start3A_24 = arith.constant 0 : i32
      %dma_start3A_25 = tpu.memref_slice %arg4[%add3A, %dma_start3A_24] : memref<32x256xf32, #tpu.memory_space<hbm>> -> memref<1x256xf32, #tpu.memory_space<hbm>>
      %dma_start3A_26 = tpu.memref_squeeze %dma_start3A_25 : memref<1x256xf32, #tpu.memory_space<hbm>> -> memref<256xf32, #tpu.memory_space<hbm>>
      %dma_start3A_27 = arith.constant 0 : i32
      %dma_start3A_28 = tpu.memref_slice %arg4[%add3A, %dma_start3A_27] : memref<32x256xf32, #tpu.memory_space<hbm>> -> memref<1x256xf32, #tpu.memory_space<hbm>>
      %dma_start3A_29 = tpu.memref_squeeze %dma_start3A_28 : memref<1x256xf32, #tpu.memory_space<hbm>> -> memref<256xf32, #tpu.memory_space<hbm>>
      tpu.enqueue_dma source(%arg8 : memref<256xf32, #tpu.memory_space<vmem>>) target(%dma_start3A_29 : memref<256xf32, #tpu.memory_space<hbm>>) target_semaphore(%run_scoped3A : memref<!tpu.dma_semaphore, #tpu.memory_space<semaphore_mem>>)
      %dma_wait3A_30 = arith.constant 0 : i32
      %dma_wait3A_31 = tpu.memref_slice %arg4[%add3A, %dma_wait3A_30] : memref<32x256xf32, #tpu.memory_space<hbm>> -> memref<1x256xf32, #tpu.memory_space<hbm>>
      %dma_wait3A_32 = tpu.memref_squeeze %dma_wait3A_31 : memref<1x256xf32, #tpu.memory_space<hbm>> -> memref<256xf32, #tpu.memory_space<hbm>>
      %dma_wait3A_33 = arith.constant 0 : i32
      %dma_wait3A_34 = tpu.memref_slice %arg4[%add3A, %dma_wait3A_33] : memref<32x256xf32, #tpu.memory_space<hbm>> -> memref<1x256xf32, #tpu.memory_space<hbm>>
      %dma_wait3A_35 = tpu.memref_squeeze %dma_wait3A_34 : memref<1x256xf32, #tpu.memory_space<hbm>> -> memref<256xf32, #tpu.memory_space<hbm>>
      tpu.wait_dma2 semaphore(%run_scoped3A : memref<!tpu.dma_semaphore, #tpu.memory_space<semaphore_mem>>) src(%arg8 : memref<256xf32, #tpu.memory_space<vmem>>) dst(%dma_wait3A_35 : memref<256xf32, #tpu.memory_space<hbm>>)
      tpu.yield
    }) : () -> ()
    return
  }
}

module attributes {stable_mosaic.version = 14 : i64} {
  func.func @_tc_combine_body(%arg0: memref<32x256xf32, #tpu.memory_space<vmem>>, %arg1: memref<256xf32, #tpu.memory_space<vmem>>, %arg2: memref<1xf32, #tpu.memory_space<vmem>>, %arg3: memref<1xf32, #tpu.memory_space<vmem>>, %arg4: memref<1xi32, #tpu.memory_space<smem>>, %arg5: memref<1xf32, #tpu.memory_space<smem>>, %arg6: memref<1xf32, #tpu.memory_space<smem>>, %arg7: memref<1xf32, #tpu.memory_space<smem>>, %arg8: memref<1xf32, #tpu.memory_space<smem>>) attributes {dimension_semantics = [], scalar_prefetch = 0 : i64, scratch_operands = 0 : i64, tpu.core_type = #tpu.core_type<tc>} {
    %get3A = arith.constant 0 : index
    %get3A_0 = arith.constant 0 : index
    %get3A_1 = vector.load %arg0[%get3A, %get3A_0] : memref<32x256xf32, #tpu.memory_space<vmem>>, vector<32x256xf32>
    %reduce_sum3A = arith.constant dense<0.000000e+00> : vector<256xf32>
    %reduce_sum3A_2 = vector.multi_reduction <add>, %get3A_1, %reduce_sum3A [0] : vector<32x256xf32> to vector<256xf32>
    %get3A_3 = arith.constant 0 : index
    %get3A_4 = vector.load %arg1[%get3A_3] : memref<256xf32, #tpu.memory_space<vmem>>, vector<256xf32>
    %add3A = arith.constant 9.99999993E-9 : f32
    %add3A_5 = vector.broadcast %add3A : f32 to vector<256xf32>
    %add3A_6 = arith.addf %reduce_sum3A_2, %add3A_5 : vector<256xf32>
    %log1p3A = math.log1p %add3A_6 : vector<256xf32>
    %sub3A = arith.subf %log1p3A, %get3A_4 : vector<256xf32>
    %integer_pow3A = arith.mulf %sub3A, %sub3A : vector<256xf32>
    %reduce_sum3A_7 = vector.shape_cast %integer_pow3A : vector<256xf32> to vector<1x256xf32>
    %reduce_sum3A_8 = arith.constant dense<0.000000e+00> : vector<1xf32>
    %reduce_sum3A_9 = vector.multi_reduction <add>, %reduce_sum3A_7, %reduce_sum3A_8 [1] : vector<1x256xf32> to vector<1xf32>
    %reduce_sum3A_10 = vector.shape_cast %reduce_sum3A_9 : vector<1xf32> to vector<1x1xf32>
    %reduce_sum3A_11 = vector.extract %reduce_sum3A_10[0, 0] : f32 from vector<1x1xf32>
    %div3A = arith.constant 2.560000e+02 : f32
    %div3A_12 = arith.divf %reduce_sum3A_11, %div3A : f32
    %get3A_13 = arith.constant 0 : index
    %get3A_14 = vector.load %arg3[%get3A_13] : memref<1xf32, #tpu.memory_space<vmem>>, vector<1xf32>
    %reduce_sum3A_15 = vector.shape_cast %get3A_14 : vector<1xf32> to vector<1x1xf32>
    %reduce_sum3A_16 = arith.constant dense<0.000000e+00> : vector<1xf32>
    %reduce_sum3A_17 = vector.multi_reduction <add>, %reduce_sum3A_15, %reduce_sum3A_16 [1] : vector<1x1xf32> to vector<1xf32>
    %reduce_sum3A_18 = vector.shape_cast %reduce_sum3A_17 : vector<1xf32> to vector<1x1xf32>
    %reduce_sum3A_19 = vector.extract %reduce_sum3A_18[0, 0] : f32 from vector<1x1xf32>
    %div3A_20 = arith.constant 2.560000e+02 : f32
    %div3A_21 = arith.divf %reduce_sum3A_19, %div3A_20 : f32
    %get3A_22 = arith.constant 0 : index
    %get3A_23 = vector.load %arg2[%get3A_22] : memref<1xf32, #tpu.memory_space<vmem>>, vector<1xf32>
    %reduce_sum3A_24 = vector.shape_cast %get3A_23 : vector<1xf32> to vector<1x1xf32>
    %reduce_sum3A_25 = arith.constant dense<0.000000e+00> : vector<1xf32>
    %reduce_sum3A_26 = vector.multi_reduction <add>, %reduce_sum3A_24, %reduce_sum3A_25 [1] : vector<1x1xf32> to vector<1xf32>
    %reduce_sum3A_27 = vector.shape_cast %reduce_sum3A_26 : vector<1xf32> to vector<1x1xf32>
    %reduce_sum3A_28 = vector.extract %reduce_sum3A_27[0, 0] : f32 from vector<1x1xf32>
    %div3A_29 = arith.constant 1.000000e+05 : f32
    %div3A_30 = arith.divf %reduce_sum3A_28, %div3A_29 : f32
    %get3A_31 = arith.constant 0 : index
    %get3A_32 = memref.load %arg4[%get3A_31] : memref<1xi32, #tpu.memory_space<smem>>
    %ne3A = arith.constant 0 : i32
    %ne3A_33 = arith.cmpi ne, %get3A_32, %ne3A : i32
    %add3A_34 = arith.addf %div3A_30, %div3A_21 : f32
    %mul3A = arith.constant 1.000000e-01 : f32
    %mul3A_35 = arith.mulf %mul3A, %div3A_12 : f32
    %jit3A = arith.constant 0.000000e+00 : f32
    %select_n3A = arith.select %ne3A_33, %mul3A_35, %jit3A : f32
    %add3A_36 = arith.addf %add3A_34, %select_n3A : f32
    %swap3A = arith.constant 0 : index
    %swap3A_37 = memref.load %arg5[%swap3A] : memref<1xf32, #tpu.memory_space<smem>>
    memref.store %add3A_36, %arg5[%swap3A] : memref<1xf32, #tpu.memory_space<smem>>
    %swap3A_38 = arith.constant 0 : index
    %swap3A_39 = memref.load %arg6[%swap3A_38] : memref<1xf32, #tpu.memory_space<smem>>
    memref.store %div3A_30, %arg6[%swap3A_38] : memref<1xf32, #tpu.memory_space<smem>>
    %swap3A_40 = arith.constant 0 : index
    %swap3A_41 = memref.load %arg7[%swap3A_40] : memref<1xf32, #tpu.memory_space<smem>>
    memref.store %div3A_21, %arg7[%swap3A_40] : memref<1xf32, #tpu.memory_space<smem>>
    %jit3A_42 = arith.constant 0.000000e+00 : f32
    %select_n3A_43 = arith.select %ne3A_33, %div3A_12, %jit3A_42 : f32
    %swap3A_44 = arith.constant 0 : index
    %swap3A_45 = memref.load %arg8[%swap3A_44] : memref<1xf32, #tpu.memory_space<smem>>
    memref.store %select_n3A_43, %arg8[%swap3A_44] : memref<1xf32, #tpu.memory_space<smem>>
    return
  }
}

module attributes {stable_mosaic.version = 14 : i64} {
  func.func @_mse_body(%arg0: memref<100000xf32, #tpu.memory_space<vmem>>, %arg1: memref<100000xf32, #tpu.memory_space<vmem>>, %arg2: memref<256xf32, #tpu.memory_space<vmem>>, %arg3: memref<256xf32, #tpu.memory_space<vmem>>, %arg4: memref<1xf32, #tpu.memory_space<vmem>>, %arg5: memref<1xf32, #tpu.memory_space<vmem>>) attributes {dimension_semantics = [], scalar_prefetch = 0 : i64, scratch_operands = 0 : i64, tpu.core_type = #tpu.core_type<tc>} {
    %get3A = arith.constant 0 : index
    %get3A_0 = vector.load %arg0[%get3A] : memref<100000xf32, #tpu.memory_space<vmem>>, vector<100000xf32>
    %get3A_1 = arith.constant 0 : index
    %get3A_2 = vector.load %arg1[%get3A_1] : memref<100000xf32, #tpu.memory_space<vmem>>, vector<100000xf32>
    %sub3A = arith.subf %get3A_0, %get3A_2 : vector<100000xf32>
    %mul3A = arith.mulf %sub3A, %sub3A : vector<100000xf32>
    %reduce_sum3A = vector.shape_cast %mul3A : vector<100000xf32> to vector<1x100000xf32>
    %reduce_sum3A_3 = arith.constant dense<0.000000e+00> : vector<1xf32>
    %reduce_sum3A_4 = vector.multi_reduction <add>, %reduce_sum3A, %reduce_sum3A_3 [1] : vector<1x100000xf32> to vector<1xf32>
    %reduce_sum3A_5 = vector.shape_cast %reduce_sum3A_4 : vector<1xf32> to vector<1x1xf32>
    %reduce_sum3A_6 = vector.extract %reduce_sum3A_5[0, 0] : f32 from vector<1x1xf32>
    %broadcast_in_dim3A = vector.broadcast %reduce_sum3A_6 : f32 to vector<1xf32>
    %swap3A = arith.constant 0 : index
    %swap3A_7 = vector.load %arg4[%swap3A] : memref<1xf32, #tpu.memory_space<vmem>>, vector<1xf32>
    tpu.vector_store %arg4[%swap3A], %broadcast_in_dim3A {strides = array<i32>} : memref<1xf32, #tpu.memory_space<vmem>>, vector<1xf32>,
    %get3A_8 = arith.constant 0 : index
    %get3A_9 = vector.load %arg2[%get3A_8] : memref<256xf32, #tpu.memory_space<vmem>>, vector<256xf32>
    %get3A_10 = arith.constant 0 : index
    %get3A_11 = vector.load %arg3[%get3A_10] : memref<256xf32, #tpu.memory_space<vmem>>, vector<256xf32>
    %sub3A_12 = arith.subf %get3A_9, %get3A_11 : vector<256xf32>
    %mul3A_13 = arith.mulf %sub3A_12, %sub3A_12 : vector<256xf32>
    %reduce_sum3A_14 = vector.shape_cast %mul3A_13 : vector<256xf32> to vector<1x256xf32>
    %reduce_sum3A_15 = arith.constant dense<0.000000e+00> : vector<1xf32>
    %reduce_sum3A_16 = vector.multi_reduction <add>, %reduce_sum3A_14, %reduce_sum3A_15 [1] : vector<1x256xf32> to vector<1xf32>
    %reduce_sum3A_17 = vector.shape_cast %reduce_sum3A_16 : vector<1xf32> to vector<1x1xf32>
    %reduce_sum3A_18 = vector.extract %reduce_sum3A_17[0, 0] : f32 from vector<1x1xf32>
    %broadcast_in_dim3A_19 = vector.broadcast %reduce_sum3A_18 : f32 to vector<1xf32>
    %swap3A_20 = arith.constant 0 : index
    %swap3A_21 = vector.load %arg5[%swap3A_20] : memref<1xf32, #tpu.memory_space<vmem>>, vector<1xf32>
    tpu.vector_store %arg5[%swap3A_20], %broadcast_in_dim3A_19 {strides = array<i32>} : memref<1xf32, #tpu.memory_space<vmem>>, vector<1xf32>,
    return
  }
}

</mosaic_0001>

<sc_bundles>
// kernel: kernel.5.cloned.1.call-start
scs
__scs_entry_jumppad:
0x0: {  	(pc) =	sbr.rel $0x88, $3  }
0x1: {  	(tag) =	ssettag $0x0;
	lr =	simm.s32 $0x1  }
0x2: {  	[smem:$0x3F9B] =	sst lr;
	_ =	strace $0xD0000000  }
0x3: {  	_ = 	snop  }
0x4: {  	_ = 	snop  }
0x5: {  	_ = 	snop  }
0x6: {  	_ = 	snop  }
0x7: {  	_ = 	snop  }
__scs_overlays_trampoline_lowered:
0x8: {  	[smem:$0x3FAA] =	sst s0  }
0x9: {  	[smem:$0x3FAB] =	sst s1  }
0xa: {  	[smem:$0x3FAC] =	sst s2  }
0xb: {  	[smem:$0x3FAD] =	sst s3  }
0xc: {  	[smem:$0x3FAE] =	sst s4  }
0xd: {  	[smem:$0x3FAF] =	sst s5  }
0xe: {  	[smem:$0x3FB0] =	sst s6  }
0xf: {  	[smem:$0x3FB1] =	sst s7  }
0x10: {  	[smem:$0x3FB2] =	sst s8  }
0x11: {  	[smem:$0x3FB3] =	sst s9;
	s0 =	simm.s32 @!p0 $0x0  }
0x12: {  	s1 =	sld [smem:$0x3F99];
	s0 =	simm.s32 @p0 $0x1  }
0x13: {  	[smem:$0x3FB4] =	sst s0;
	s0 =	simm.s32 @!p1 $0x0  }
0x14: {  	s2 =	sld [smem:$0x3F98];
	s0 =	simm.s32 @p1 $0x1  }
0x15: {  	[smem:$0x3FB5] =	sst s0;
	s0 =	simm.s32 @!p2 $0x0  }
0x16: {  	s3 =	sld [smem:$0x3FDB];
	s0 =	simm.s32 @p2 $0x1  }
0x17: {  	s4 =	simm.s32 $0x1BF5;
	[smem:$0x3FB7] =	sst s0  }
0x18: {  	s0 =	sld [smem:$0x3F9A];
	_ =	swait.ge [sflag:s4], $0x0  }
0x19: {  	s7 =	sld [smem:$0x3F9B]  }
0x1a: {  	s8 =	sadd.s32 $0xFFFFE003, lr  }
0x1b: {  	s9 =	sadd.s32 $0xFFFFFEF7, lr;
	s5 =	simm.s32 $0xFFFFFFFF;
	p2 =	slt.u32 s8, $0xFFFFF086  }
0x1c: {  	p1 =	slt.u32 s9, $0xF7A;
	s5 =	simm.s32 @!p2 $0x0  }
0x1d: {  	s5 =	simm.s32 @p1 $0x1;
	p0 =	seq.s32 s7, s2  }
0x1e: {  	s7 =	smul.u32 @!p0 $0xF7A, s2;
	p2 =	seq.s32 @!p0 s5, $0x0  }
0x1f: {  	s9 =	smul.u32 $0xF7A, s1;
	s8 =	simm.s32 @!p0 $0x1BF5;
	p2 =	por !p2, p0  }
0x20: {  	[sflag:s8] =	ssyncset.s32 @!p0 $0xFFFFF086;
	s6 =	sadd.s32 @!p0 s3, s7;
	s7 =	simm.s32 @!p0 $0x108  }
0x21: {  	s3 =	sadd.s32 s3, s9;
	s6 =	sadd.s32 @!p0 $0x88, s6;
	s7 =	simm.s32 @p2 $0x1082  }
0x22: {  	[simem:s7], [sflag:s8] =	dma.local @!p0 [hbm:s6], $0xF7A  }
0x23: {  	s9 =	sor.u32 $0xD0000000, s2;
	s6 =	simm.s32 $0x108;
	_ =	swait.ge @!p0 [sflag:s8], $0x0  }
0x24: {  	s3 =	sadd.s32 $0x88, s3;
	s6 =	simm.s32 @!p1 $0x1082;
	[sflag:s4] =	ssyncset.s32 $0xFFFFF086  }
0x25: {  	[simem:s6], [sflag:s4] =	dma.local [hbm:s3], $0xF7A  }
0x26: {  	[smem:$0x3F9B] =	sst s1;
	(tag) =	ssettag s2;
	_ =	strace s9  }
0x27: {  	s1 =	sld [smem:$0x3FAB]  }
0x28: {  	s2 =	sld [smem:$0x3FAC]  }
0x29: {  	s4 =	sld [smem:$0x3FAE]  }
0x2a: {  	p0 =	seq.s32 s5, $0x0;
	s5 =	sld [smem:$0x3FAF]  }
0x2b: {  	s6 =	sld [smem:$0x3FB0]  }
0x2c: {  	s7 =	sld [smem:$0x3FB1]  }
0x2d: {  	s3 =	simm.s32 $0x108;
	s8 =	sld [smem:$0x3FB2]  }
0x2e: {  	s3 =	simm.s32 @!p0 $0x1082;
	s9 =	sld [smem:$0x3FB3]  }
0x2f: {  	lr =	sadd.s32 s0, s3;
	s0 =	sld [smem:$0x3FAA]  }
0x30: {  	s3 =	sld [smem:$0x3FAD]  }
0x31: {  	[smem:$0x3FB6] =	sst s10  }
0x32: {  	s10 =	sld [smem:$0x3FB4];
	_ =	sdelay $0x3  }
0x33: {  	p0 =	seq.s32 s10, $0x1;
	s10 =	sld [smem:$0x3FB6];
	_ =	sdelay $0x3  }
0x34: {  	[smem:$0x3FB6] =	sst s10  }
0x35: {  	s10 =	sld [smem:$0x3FB5];
	_ =	sdelay $0x3  }
0x36: {  	p1 =	seq.s32 s10, $0x1;
	s10 =	sld [smem:$0x3FB6];
	_ =	sdelay $0x3  }
0x37: {  	[smem:$0x3FB6] =	sst s10  }
0x38: {  	s10 =	sld [smem:$0x3FB7]  }
0x39: {  	_ = 	snop;
	(pc) =	sbr.ind lr, $3  }
0x3a: {  	_ = 	snop  }
0x3b: {  	_ = 	snop  }
0x3c: {  	p2 =	seq.s32 s10, $0x1;
	s10 =	sld [smem:$0x3FB6]  }
0x3d: {  	_ =	shalt  }
0x3e: {  	_ =	shalt  }
0x3f: {  	_ =	shalt  }
0x40: {  	_ =	shalt  }
0x41: {  	_ =	shalt  }
0x42: {  	_ =	shalt  }
0x43: {  	_ =	shalt  }
0x44: {  	_ =	shalt  }
0x45: {  	_ =	shalt  }
0x46: {  	_ =	shalt  }
0x47: {  	_ =	shalt  }
0x48: {  	_ =	shalt  }
0x49: {  	_ =	shalt  }
0x4a: {  	_ =	shalt  }
0x4b: {  	_ =	shalt  }
0x4c: {  	_ =	shalt  }
0x4d: {  	_ =	shalt  }
0x4e: {  	_ =	shalt  }
0x4f: {  	_ =	shalt  }
0x50: {  	_ =	shalt  }
0x51: {  	_ =	shalt  }
0x52: {  	_ =	shalt  }
0x53: {  	_ =	shalt  }
0x54: {  	_ =	shalt  }
0x55: {  	_ =	shalt  }
0x56: {  	_ =	shalt  }
0x57: {  	_ =	shalt  }
0x58: {  	_ =	shalt  }
0x59: {  	_ =	shalt  }
0x5a: {  	_ =	shalt  }
0x5b: {  	_ =	shalt  }
0x5c: {  	_ =	shalt  }
0x5d: {  	_ =	shalt  }
0x5e: {  	_ =	shalt  }
0x5f: {  	_ =	shalt  }
0x60: {  	_ =	shalt  }
0x61: {  	_ =	shalt  }
0x62: {  	_ =	shalt  }
0x63: {  	_ =	shalt  }
0x64: {  	_ =	shalt  }
0x65: {  	_ =	shalt  }
0x66: {  	_ =	shalt  }
0x67: {  	_ =	shalt  }
0x68: {  	_ =	shalt  }
0x69: {  	_ =	shalt  }
0x6a: {  	_ =	shalt  }
0x6b: {  	_ =	shalt  }
0x6c: {  	_ =	shalt  }
0x6d: {  	_ =	shalt  }
0x6e: {  	_ =	shalt  }
0x6f: {  	_ =	shalt  }
0x70: {  	_ =	shalt  }
0x71: {  	_ =	shalt  }
0x72: {  	_ =	shalt  }
0x73: {  	_ =	shalt  }
0x74: {  	_ =	shalt  }
0x75: {  	_ =	shalt  }
0x76: {  	_ =	shalt  }
0x77: {  	_ =	shalt  }
0x78: {  	_ =	shalt  }
0x79: {  	_ =	shalt  }
0x7a: {  	_ =	shalt  }
0x7b: {  	_ =	shalt  }
0x7c: {  	_ =	shalt  }
0x7d: {  	_ =	shalt  }
0x7e: {  	_ =	shalt  }
0x7f: {  	_ =	shalt  }
0x80: {  	_ =	shalt  }
0x81: {  	_ =	shalt  }
0x82: {  	_ =	shalt  }
0x83: {  	_ =	shalt  }
0x84: {  	_ =	shalt  }
0x85: {  	_ =	shalt  }
0x86: {  	_ =	shalt  }
0x87: {  	_ =	shalt  }
.Lfunc_end0:
.L_simem_size_0:
called_computation_lowered:
.L_overlay_start_0:
0x88: {  	s2 =	sld [smem:$0x3FD9]  }
0x89: {  	s3 =	sld [smem:$0x3FFE];
	_ =	sdelay $0x1  }
0x8a: {  	s1 =	srdreg.scid  }
0x8b: {  	s0 =	sand.u32 $0x1, s1  }
0x8c: {  	s17 =	sshll.u32 s0, $0xA;
	s2 =	sadd.s32 s3, s2  }
0x8d: {  	s2 =	sadd.s32 s2, s17  }
0x8e: {  	[smem:$0x3FC2] =	sst s2  }
0x8f: {  	_ = 	snop  }
0x90: {  	s2 =	sld [smem:$0x3FC9]  }
0x91: {  	s18 =	sld [smem:$0x3FC5];
	(tm) =	ssettm $0x1  }
0x92: {  	s4 =	sld [smem:$0x3FFB];
	_ =	sdelay $0x3  }
0x93: {  	_ =	strace s4  }
0x94: {  	s4 =	sld [smem:$0x3FFC];
	_ =	sdelay $0x3  }
0x95: {  	_ =	strace s4  }
0x96: {  	s4 =	sld [smem:$0x3FFD];
	_ =	sdelay $0x3  }
0x97: {  	_ =	strace s4  }
0x98: {  	_ =	strace $0x8FFFFFFF  }
0x99: {  	s19 =	sld [smem:$0x3FDB];
	_ =	sdelay $0x1  }
0x9a: {  	s5 =	simm.s32 $_scs_section_size  }
0x9b: {  	s6 =	simm.s32 $_size__tile_overlayer_lowered;
	s7 =	simm.s32 $_tile_overlayer_lowered  }
0x9c: {  	s22 =	simm.s32 $0x1BFF;
	s21 =	sshll.u32 s7, $0x1;
	s4 =	sadd.s32 s5, s19  }
0x9d: {  	s8 =	simm.s32 $0x0;
	s20 =	sshll.u32 s6, $0x1;
	s6 =	sadd.s32 s21, s4  }
0x9e: {  	[timem:s8], [sflag:s22] =	dma.local [hbm:s6], s20  }
0x9f: {  	_ =	swait.ge [sflag:s22], s20  }
0xa0: {  	s5 =	ssub.s32 $0x0, s20;
	[sflag:s22] =	ssyncset.done $0x0  }
0xa1: {  	[sflag:s22] =	ssyncadd.s32 s5;
	_ =	sdelay $0x1  }
0xa2: {  	s23 =	simm.s32 $0x1B8B  }
0xa3: {  	_ =	swait.ge [sflag:s23], $0x1  }
0xa4: {  	[sflag:s23] =	ssyncset.done $0x0  }
0xa5: {  	s25 =	simm.s32 $0x1B8E;
	s24 =	sld [smem:$0x3FFE];
	[sflag:s23] =	ssyncadd.s32 $0xFFFFFFFF  }
0xa6: {  	s26 =	simm.s32 $execute0_lowered;
	[smem:$0x3FD2] =	sst s25  }
0xa7: {  	s6 =	sshll.u32 s26, $0x1;
	_ =	strace $0x80000046;
	[dreg:$0x1] =	wrdreg $0xFFFFFFFF  }
0xa8: {  	s28 =	simm.s32 $_size_execute0_lowered;
	s4 =	sadd.s32 s4, s6;
	[dreg:$0x0] =	wrdreg $0x0  }
0xa9: {  	s6 =	sshll.u32 s28, $0x1;
	[dreg:$0x2] =	wrdreg s4  }
0xaa: {  	[dreg:$0x3] =	wrdreg s6  }
0xab: {  	[dreg:$0x4] =	wrdreg $0xC0  }
0xac: {  	_ =	task [dreg:s8], $0x5FFFF  }
0xad: {  	[dreg:$0x1] =	wrdreg $0xFFFFFFFF  }
0xae: {  	[dreg:$0x0] =	wrdreg $0x60  }
0xaf: {  	[dreg:$0x2] =	wrdreg s2  }
0xb0: {  	[dreg:$0x3] =	wrdreg s18  }
0xb1: {  	[dreg:$0x4] =	wrdreg s24  }
0xb2: {  	[dreg:$0x5] =	wrdreg $0x9  }
0xb3: {  	_ =	task.clear_ibuf [dreg:s8], $0x6FFFF;
	_ =	strace $0x90000046  }
0xb4: {  	s29 =	simm.s32 $0x9;
	_ =	strace $0x80000048  }
0xb5: {  	_ =	swait.ge [sflag:s29], $0x1  }
0xb6: {  	[sflag:s29] =	ssyncadd.s32 $0xFFFFFFFF  }
0xb7: {  	_ =	strace $0x90000048  }
0xb8: {  	_ =	sfence  }
0xb9: {  	s30 =	sld [smem:$0x0];
	_ =	sdelay $0x2  }
0xba: {  	s31 =	sshll.u32 s1, $0xD;
	s1 =	sshrl.u32 s1, $0x2  }
0xbb: {  	s3 =	sand.u32 $0x4000, s31;
	s1 =	sadd.s32 s1, s30  }
0xbc: {  	s0 =	sor.u32 s3, s0;
	s1 =	sshll.u32 s1, $0x11  }
0xbd: {  	s0 =	sor.u32 s1, s0  }
0xbe: {  	s0 =	sadd.s32 $0x8F2B, s0  }
0xbf: {  	[sflag:s0] =	ssyncadd.remote.s32 $0x1  }
0xc0: {  	_ =	sfence.sel $0xFFFF  }
0xc1: {  	[dreg:$0x0] =	wrdreg $0xFFFFFFFF;
	(pc) =	sbr.abs _section_cstart, $3  }
0xc2: {  	[dreg:$0x1] =	wrdreg $0xFFFFFFFF  }
0xc3: {  	_ =	task.clear_ibuf [dreg:s8], $0x2FFFF;
	_ =	strace $0x9FFFFFFF  }
0xc4: {  	(tm) =	ssettm $0x7FFFFFFF  }
0xc5: {  	_ =	shalt  }
tec
execute0_lowered:
.L_overlay_start_1:
0x0: {  	(tag) =	ssettag $0x1  }
0x1: {  	s3 =	rddreg [dreg:$0x0]  }
0x2: {  	s4 =	rddreg [dreg:$0x1]  }
0x3: {  	s5 =	rddreg [dreg:$0x2]  }
0x4: {  	s1 =	stileid.u32;
	s2 =	srdreg.scid  }
0x5: {  	s0 =	rddreg [dreg:$0x3];
	s11 =	simm.s32 $0x80;
	s12 =	simm.s32 $0x400  }
0x6: {  	s13 =	simm.s32 $0x2980;
	s14 =	simm.s32 $0x3;
	s15 =	simm.s32 $0x0  }
0x7: {  	s6 =	sand.u32 $0x1, s2;
	s7 =	sshll.u32 s1, $0x1;
	s2 =	simm.s32 $0x0  }
0x8: {  	s8 =	sshll.u32 s1, $0x6;
	s9 =	sor.u32 s6, s7;
	[smem:$0x7FF] =	sst s2  }
0x9: {  	s26 =	sand.u32 $0x300, s8;
	s6 =	ssub.s32 $0x2, s6;
	s7 =	simm.s32 $0xC80  }
0xa: {  	s28 =	smul.u32 $0xC40, s9;
	_ =	strace $0x80000047;
	s5 =	sadd.s32 s26, s5  }
0xb: {  	s29 =	sshrl.u32 s6, $0x1;
	s10 =	sshll.u32 s9, $0x4;
	p0 =	sne.s32 s9, $0x1F  }
0xc: {  	s9 =	simm.s32 $0x2;
	s6 =	ssub.s32 s6, s29;
	s31 =	sand.u32 $0x70, s10  }
0xd: {  	v2 =	vlaneseq.u32;
	s10 =	simm.s32 $0x1900;
	s8 =	smin.u32 s28, $0x17A60;
	s5 =	sadd.s32 s31, s5  }
0xe: {  	v2 =	vmul.u32 $0x101, v2;
	s6 =	smax.u32 s6, $0x1;
	s30 =	sshrl.u32 s8, $0x3;
	s5 =	sadd.s32 $0x1200, s5  }
0xf: {  	v0 =	vimm.f32 $0.0e+00;
	v1 =	vimm.s32 $0x100;
	s8 =	simm.s32 $0x1;
	s3 =	sadd.s32 s3, s30;
	s4 =	sadd.s32 s4, s30  }
.LBB2_1:
0x10: {  	[tilespmem:s2], [sflag:$0x1] =	stream.linear.gather [hbm4b:s3+s2], $0xC40, $0x38;
	[tilespmem:$0x2A80] =	vst v63  }
0x11: {  	s16 =	simm.s32 $0x1940  }
0x12: {  	[tilespmem:s7], [sflag:$0x2] =	stream.linear.gather [hbm4b:s4+s2], $0xC40, $0x38;
	[tilespmem:$0x2A80] =	vst v63  }
0x13: {  	[tilespmem:s16+$0xFFFFFFC0] =	vst v0  }
0x14: {  	[tilespmem:s16+$0x30] =	vst v0  }
0x15: {  	[tilespmem:s16+$0x20] =	vst v0  }
0x16: {  	[tilespmem:s16+$0x10] =	vst v0  }
0x17: {  	[tilespmem:s16+$0x0] =	vst v0  }
0x18: {  	[tilespmem:s16+$0xFFFFFFF0] =	vst v0  }
0x19: {  	s17 =	simm.s32 $0x0;
	[tilespmem:s16+$0xFFFFFFE0] =	vst v0  }
.LBB2_2:
0x1a: {  	s17 =	sadd.s32 $0x8, s17;
	[tilespmem:s16+$0xFFFFFFD0] =	vst v0;
	s16 =	sadd.s32 $0x80, s16  }
0x1b: {  	[tilespmem:s16+$0xFFFFFFC0] =	vst v0;
	p1 =	slt.u32 s17, $0xF8  }
0x1c: {  	[tilespmem:s16+$0x30] =	vst v0  }
.Ltmp0:
0x1d: {  	[tilespmem:s16+$0x20] =	vst v0;
	(pc) =	sbr.rel @p1 .LBB2_2-.Ltmp0, $4  }
0x1e: {  	[tilespmem:s16+$0x10] =	vst v0  }
0x1f: {  	[tilespmem:s16+$0x0] =	vst v0  }
0x20: {  	[tilespmem:s16+$0xFFFFFFF0] =	vst v0  }
0x21: {  	[tilespmem:s16+$0xFFFFFFE0] =	vst v0  }
0x22: {  	[tilespmem:s16+$0xFFFFFFD0] =	vst v0  }
0x23: {  	[tilespmem:$0x2900] =	vst v0  }
0x24: {  	_ =	swait.ge [sflag:s8], $0xC40  }
.Ltmp1:
0x25: {  	[sflag:s8] =	ssyncset.done $0x0;
	(pc) =	sbr.rel @p0 .LBB2_7-.Ltmp1, $4  }
0x26: {  	[sflag:s8] =	ssyncadd.s32 $0xFFFFF3C0  }
0x27: {  	_ =	swait.ge [sflag:s9], $0xC40  }
0x28: {  	[sflag:s9] =	ssyncset.done $0x0  }
0x29: {  	[sflag:s9] =	ssyncadd.s32 $0xFFFFF3C0  }
0x2a: {  	s16 =	simm.s32 $0xC90  }
0x2b: {  	s17 =	simm.s32 $0x0;
	[tilespmem:s16+$0xFFFFFFF0] =	vst v1  }
.LBB2_5:
0x2c: {  	s17 =	sadd.s32 $0x2, s17  }
0x2d: {  	p1 =	slt.u32 s17, $0x14  }
.Ltmp2:
0x2e: {  	_ = 	snop;
	(pc) =	sbr.rel @p1 .LBB2_5-.Ltmp2, $3  }
0x2f: {  	_ =	sdelay $0x1  }
0x30: {  	[tilespmem:s16+$0x0] =	vst v1;
	s16 =	sadd.s32 $0x20, s16  }
0x31: {  	[tilespmem:s16+$0xFFFFFFF0] =	vst v1  }
0x32: {  	[tilespmem:s16+$0x0] =	vst v1  }
.LBB2_7:
0x33: {  	s16 =	simm.s32 $0x30  }
0x34: {  	v3 =	vld [tilespmem:s16+$0x30]  }
0x35: {  	v4 =	vld [tilespmem:s16+$0xFFFFFFE0];
	_ =	sdelay $0x2  }
0x36: {  	v5 =	vld [tilespmem:s16+$0xFFFFFFF0]  }
0x37: {  	v6 =	vld [tilespmem:s16+$0x0];
	v3 =	vadd.f32 $9.999999930e-09, v3  }
0x38: {  	v7 =	vld [tilespmem:s16+$0x10];
	v4 =	vadd.f32 $9.999999930e-09, v4  }
0x39: {  	v8 =	vld [tilespmem:s16+$0x20];
	v3 =	vmul.f32 $1.442695020e+00, v3  }
0x3a: {  	v9 =	vld [tilespmem:s16+$0xFFFFFFD0];
	v4 =	vmul.f32 $1.442695020e+00, v4  }
0x3b: {  	(erf) = vpow2.f32 v3;
	v3 =	vadd.f32 $9.999999930e-09, v5  }
0x3c: {  	(erf) = vpow2.f32 v4;
	v4 =	vadd.f32 $9.999999930e-09, v6  }
0x3d: {  	v6 =	vadd.f32 $9.999999930e-09, v7;
	v3 =	vmul.f32 $1.442695020e+00, v3  }
0x3e: {  	s16 =	simm.s32 $0xCB0;
	v8 =	vadd.f32 $9.999999930e-09, v8;
	v4 =	vmul.f32 $1.442695020e+00, v4  }
0x3f: {  	v9 =	vadd.f32 $9.999999930e-09, v9;
	v5 =	vld [tilespmem:s16+$0x30];
	v6 =	vmul.f32 $1.442695020e+00, v6;
	(erf) = vpow2.f32 v3  }
0x40: {  	v8 =	vmul.f32 $1.442695020e+00, v8;
	v7 =	vld [tilespmem:s16+$0xFFFFFFD0];
	(erf) = vpow2.f32 v4  }
0x41: {  	v10 =	vld [tilespmem:s16+$0xFFFFFFE0];
	v4 =	vmul.f32 $1.442695020e+00, v9;
	(erf) = vpow2.f32 v6  }
0x42: {  	v3 =	vld [tilespmem:s16+$0xFFFFFFF0];
	(erf) = vpow2.f32 v8  }
0x43: {  	v9 =	vld [tilespmem:s16+$0x0];
	(erf) = vpow2.f32 v4  }
0x44: {  	v6 =	vld [tilespmem:s16+$0x10];
	v8 =	vadd.s32 v2, v5  }
0x45: {  	v4 =	vadd.s32 v2, v7;
	v7 =	vld [tilespmem:s16+$0x20]  }
0x46: {  	v11 =	vpop (erf)  }
0x47: {  	s17 =	simm.s32 $0x0;
	s18 =	simm.s32 $0xA0;
	v5 =	vadd.s32 v2, v10;
	v3 =	vadd.s32 v2, v3;
	v10 =	vadd.f32 $-1.000000000e+00, v11;
	v11 =	vpop (erf)  }
.LBB2_8:
0x48: {  	v12 =	vld [tilespmem:s18+$0x30];
	v11 =	vadd.f32 $-1.000000000e+00, v11;
	v9 =	vadd.s32 v2, v9;
	v13 =	vpop (erf)  }
0x49: {  	s17 =	sadd.s32 $0x7, s17;
	v13 =	vadd.f32 $-1.000000000e+00, v13;
	v14 =	vadd.s32 v2, v6;
	[tilespmem:v8+s10+$0x0] =	vst.idx.add.f32.msk $0xffff, v10;
	v6 =	vpop (erf)  }
0x4a: {  	p1 =	slt.u32 s17, $0xBD;
	v8 =	vld [tilespmem:s18+$0xFFFFFFE0];
	v6 =	vadd.f32 $-1.000000000e+00, v6;
	v15 =	vadd.s32 v2, v7;
	v7 =	vpop (erf)  }
0x4b: {  	v10 =	vld [tilespmem:s18+$0xFFFFFFF0];
	v16 =	vadd.f32 $-1.000000000e+00, v7;
	v7 =	vpop (erf)  }
0x4c: {  	v17 =	vld [tilespmem:s18+$0x0];
	v18 =	vadd.f32 $-1.000000000e+00, v7;
	v7 =	vpop (erf)  }
0x4d: {  	v19 =	vld [tilespmem:s18+$0x10];
	v7 =	vadd.f32 $-1.000000000e+00, v7  }
0x4e: {  	v12 =	vadd.f32 $9.999999930e-09, v12;
	v20 =	vld [tilespmem:s18+$0x20]  }
0x4f: {  	v21 =	vld [tilespmem:s18+$0xFFFFFFD0];
	v8 =	vadd.f32 $9.999999930e-09, v8  }
0x50: {  	v12 =	vmul.f32 $1.442695020e+00, v12;
	v10 =	vadd.f32 $9.999999930e-09, v10;
	[tilespmem:v4+s10+$0x0] =	vst.idx.add.f32.msk $0xffff, v7  }
0x51: {  	v4 =	vmul.f32 $1.442695020e+00, v8;
	v7 =	vadd.f32 $9.999999930e-09, v17;
	[tilespmem:v5+s10+$0x0] =	vst.idx.add.f32.msk $0xffff, v11  }
0x52: {  	v5 =	vmul.f32 $1.442695020e+00, v10;
	v8 =	vadd.f32 $9.999999930e-09, v19;
	(erf) = vpow2.f32 v12;
	[tilespmem:v3+s10+$0x0] =	vst.idx.add.f32.msk $0xffff, v13  }
0x53: {  	s16 =	sadd.s32 $0x70, s16;
	v3 =	vmul.f32 $1.442695020e+00, v7;
	v7 =	vadd.f32 $9.999999930e-09, v20;
	(erf) = vpow2.f32 v4;
	[tilespmem:v9+s10+$0x0] =	vst.idx.add.f32.msk $0xffff, v6  }
0x54: {  	v4 =	vadd.f32 $9.999999930e-09, v21;
	v6 =	vmul.f32 $1.442695020e+00, v8;
	v8 =	vld [tilespmem:s16+$0x30];
	(erf) = vpow2.f32 v5  }
0x55: {  	v5 =	vld [tilespmem:s16+$0xFFFFFFD0];
	v7 =	vmul.f32 $1.442695020e+00, v7;
	(erf) = vpow2.f32 v3  }
0x56: {  	v3 =	vmul.f32 $1.442695020e+00, v4;
	v10 =	vld [tilespmem:s16+$0xFFFFFFE0];
	(erf) = vpow2.f32 v6  }
0x57: {  	v11 =	vld [tilespmem:s16+$0xFFFFFFF0];
	(erf) = vpow2.f32 v7  }
.Ltmp3:
0x58: {  	v9 =	vld [tilespmem:s16+$0x0];
	(erf) = vpow2.f32 v3;
	(pc) =	sbr.rel @p1 .LBB2_8-.Ltmp3, $4  }
0x59: {  	v6 =	vld [tilespmem:s16+$0x10];
	v8 =	vadd.s32 v2, v8  }
0x5a: {  	v4 =	vadd.s32 v2, v5;
	v7 =	vld [tilespmem:s16+$0x20]  }
0x5b: {  	v5 =	vadd.s32 v2, v10;
	v10 =	vpop (erf);
	[tilespmem:v14+s10+$0x0] =	vst.idx.add.f32.msk $0xffff, v16  }
0x5c: {  	s18 =	sadd.s32 $0x70, s18;
	v3 =	vadd.s32 v2, v11;
	v10 =	vadd.f32 $-1.000000000e+00, v10;
	v11 =	vpop (erf);
	[tilespmem:v15+s10+$0x0] =	vst.idx.add.f32.msk $0xffff, v18  }
0x5d: {  	_ =	sdelay $0x1  }
0x5e: {  	v12 =	vpop (erf)  }
0x5f: {  	v13 =	vpop (erf);
	v6 =	vadd.s32 v2, v6  }
0x60: {  	[tilespmem:v8+s10+$0x0] =	vst.idx.add.f32.msk $0xffff, v10;
	v8 =	vadd.f32 $-1.000000000e+00, v11;
	v14 =	vpop (erf)  }
0x61: {  	v10 =	vadd.f32 $-1.000000000e+00, v12;
	v7 =	vadd.s32 v2, v7;
	v15 =	vpop (erf)  }
0x62: {  	v9 =	vadd.s32 v2, v9;
	[tilespmem:v5+s10+$0x0] =	vst.idx.add.f32.msk $0xffff, v8;
	v5 =	vadd.f32 $-1.000000000e+00, v14;
	v16 =	vpop (erf)  }
0x63: {  	[tilespmem:v3+s10+$0x0] =	vst.idx.add.f32.msk $0xffff, v10;
	v16 =	vadd.f32 $-1.000000000e+00, v16  }
0x64: {  	v3 =	vadd.f32 $-1.000000000e+00, v15;
	[tilespmem:v6+s10+$0x0] =	vst.idx.add.f32.msk $0xffff, v5  }
0x65: {  	[tilespmem:v4+s10+$0x0] =	vst.idx.add.f32.msk $0xffff, v16;
	v4 =	vadd.f32 $-1.000000000e+00, v13  }
0x66: {  	[tilespmem:v7+s10+$0x0] =	vst.idx.add.f32.msk $0xffff, v3  }
0x67: {  	s16 =	simm.s32 $0x0;
	[tilespmem:v9+s10+$0x0] =	vst.idx.add.f32.msk $0xffff, v4  }
0x68: {  	v3 =	vld [tilespmem:s16+$0x1900]  }
0x69: {  	v4 =	vld [tilespmem:s16+$0x1A01];
	_ =	sdelay $0x1  }
0x6a: {  	v5 =	vld [tilespmem:s16+$0x1B02];
	_ =	sdelay $0x1  }
0x6b: {  	v6 =	vld [tilespmem:s16+$0x1C03]  }
0x6c: {  	v3 =	vadd.f32 v4, v3  }
0x6d: {  	v4 =	vld [tilespmem:s16+$0x1D04]  }
0x6e: {  	v3 =	vadd.f32 v5, v3  }
0x6f: {  	v5 =	vld [tilespmem:s16+$0x1E05]  }
0x70: {  	v3 =	vadd.f32 v6, v3  }
0x71: {  	v6 =	vld [tilespmem:s16+$0x1F06]  }
0x72: {  	v3 =	vadd.f32 v4, v3  }
0x73: {  	v4 =	vld [tilespmem:s16+$0x2007]  }
0x74: {  	s17 =	simm.s32 $0x10;
	v7 =	vld [tilespmem:s16+$0x2108];
	v3 =	vadd.f32 v5, v3  }
0x75: {  	v8 =	vld [tilespmem:s17+$0x1900]  }
0x76: {  	v5 =	vld [tilespmem:s16+$0x2209];
	v3 =	vadd.f32 v6, v3  }
0x77: {  	v6 =	vld [tilespmem:s17+$0x1A01]  }
0x78: {  	v9 =	vld [tilespmem:s17+$0x1B02];
	v3 =	vadd.f32 v4, v3  }
0x79: {  	v4 =	vld [tilespmem:s16+$0x230A]  }
0x7a: {  	v10 =	vld [tilespmem:s17+$0x1C03];
	v3 =	vadd.f32 v7, v3  }
0x7b: {  	v7 =	vld [tilespmem:s16+$0x240B]  }
0x7c: {  	v6 =	vadd.f32 v6, v8;
	v8 =	vld [tilespmem:s17+$0x1D04];
	v3 =	vadd.f32 v5, v3  }
0x7d: {  	v5 =	vld [tilespmem:s16+$0x250C]  }
0x7e: {  	v6 =	vadd.f32 v9, v6;
	v9 =	vld [tilespmem:s16+$0x260D];
	v3 =	vadd.f32 v4, v3  }
0x7f: {  	v4 =	vld [tilespmem:s17+$0x1E05]  }
0x80: {  	v11 =	vld [tilespmem:s17+$0x1F06];
	v6 =	vadd.f32 v10, v6;
	v3 =	vadd.f32 v7, v3  }
0x81: {  	v10 =	vld [tilespmem:s16+$0x270E]  }
0x82: {  	v7 =	vadd.f32 v8, v6;
	v6 =	vld [tilespmem:s17+$0x2007];
	v5 =	vadd.f32 v5, v3  }
0x83: {  	s18 =	simm.s32 $0x20;
	v3 =	vld [tilespmem:s16+$0x280F]  }
0x84: {  	v8 =	vld [tilespmem:s18+$0x1900];
	v63 =	vadd.f32 v4, v7;
	v5 =	vadd.f32 v9, v5  }
0x85: {  	v7 =	vld [tilespmem:s17+$0x2108]  }
0x86: {  	s19 =	simm.s32 $0xC0;
	v4 =	vld [tilespmem:s17+$0x2209];
	v9 =	vadd.f32 v11, v63;
	v5 =	vadd.f32 v10, v5  }
.LBB2_10:
0x87: {  	p1 =	sne.s32 s19, $0x3C0;
	v10 =	vld [tilespmem:s18+$0x1A01]  }
0x88: {  	v6 =	vadd.f32 v6, v9;
	v9 =	vld [tilespmem:s17+$0x230A];
	v3 =	vadd.f32 v3, v5  }
0x89: {  	v5 =	vld [tilespmem:s18+$0x1B02]  }
0x8a: {  	v6 =	vadd.f32 v7, v6;
	v7 =	vld [tilespmem:s17+$0x240B];
	[tilespmem:s16+$0x2980] =	vst v3;
	s16 =	smov.u32 s17;
	s17 =	smov.u32 s18  }
0x8b: {  	v3 =	vld [tilespmem:s17+$0x1C03]  }
0x8c: {  	v8 =	vadd.f32 v10, v8;
	v4 =	vadd.f32 v4, v6;
	v6 =	vld [tilespmem:s16+$0x250C]  }
0x8d: {  	v10 =	vld [tilespmem:s17+$0x1D04]  }
0x8e: {  	v5 =	vadd.f32 v5, v8;
	v4 =	vadd.f32 v9, v4;
	v8 =	vld [tilespmem:s16+$0x260D]  }
0x8f: {  	v9 =	vld [tilespmem:s17+$0x1E05]  }
0x90: {  	v3 =	vadd.f32 v3, v5;
	v4 =	vadd.f32 v7, v4;
	v5 =	vld [tilespmem:s16+$0x270E]  }
0x91: {  	v11 =	vld [tilespmem:s17+$0x1F06]  }
.Ltmp4:
0x92: {  	v7 =	vadd.f32 v10, v3;
	v10 =	vadd.f32 v6, v4;
	v3 =	vld [tilespmem:s16+$0x280F];
	(pc) =	sbr.rel @p1 .LBB2_10-.Ltmp4, $4  }
0x93: {  	v6 =	vld [tilespmem:s17+$0x2007]  }
0x94: {  	v9 =	vadd.f32 v9, v7;
	v4 =	vld [tilespmem:s17+$0x2209];
	v10 =	vadd.f32 v8, v10  }
0x95: {  	s18 =	sshra.s32 s19, $0x2;
	v7 =	vld [tilespmem:s17+$0x2108]  }
0x96: {  	s19 =	sadd.s32 $0x40, s19;
	v8 =	vld [tilespmem:s18+$0x1900];
	v9 =	vadd.f32 v11, v9;
	v5 =	vadd.f32 v5, v10  }
0x97: {  	v10 =	vld [tilespmem:s18+$0x1A01];
	_ =	sdelay $0x1  }
0x98: {  	v11 =	vld [tilespmem:s18+$0x1B02];
	_ =	sdelay $0x1  }
0x99: {  	v12 =	vld [tilespmem:s18+$0x1C03]  }
0x9a: {  	v8 =	vadd.f32 v10, v8  }
0x9b: {  	v45 =	vld [tilespmem:s18+$0x1D04]  }
0x9c: {  	v8 =	vadd.f32 v11, v8  }
0x9d: {  	v46 =	vld [tilespmem:s18+$0x1E05]  }
0x9e: {  	v8 =	vadd.f32 v12, v8  }
0x9f: {  	v47 =	vld [tilespmem:s18+$0x1F06]  }
0xa0: {  	v8 =	vadd.f32 v45, v8  }
0xa1: {  	v48 =	vld [tilespmem:s18+$0x2007]  }
0xa2: {  	v8 =	vadd.f32 v46, v8  }
0xa3: {  	v49 =	vld [tilespmem:s18+$0x2108]  }
0xa4: {  	v8 =	vadd.f32 v47, v8  }
0xa5: {  	v50 =	vld [tilespmem:s18+$0x2209];
	v6 =	vadd.f32 v6, v9  }
0xa6: {  	v51 =	vld [tilespmem:s17+$0x230A];
	v8 =	vadd.f32 v48, v8  }
0xa7: {  	v52 =	vld [tilespmem:s18+$0x230A];
	v6 =	vadd.f32 v7, v6  }
0xa8: {  	v53 =	vld [tilespmem:s17+$0x240B];
	v8 =	vadd.f32 v49, v8  }
0xa9: {  	v54 =	vld [tilespmem:s18+$0x240B];
	v4 =	vadd.f32 v4, v6  }
0xaa: {  	v55 =	vld [tilespmem:s17+$0x250C];
	v8 =	vadd.f32 v50, v8  }
0xab: {  	v56 =	vld [tilespmem:s18+$0x250C];
	v4 =	vadd.f32 v51, v4  }
0xac: {  	v57 =	vld [tilespmem:s17+$0x260D];
	v7 =	vadd.f32 v52, v8  }
0xad: {  	v58 =	vld [tilespmem:s18+$0x260D];
	v4 =	vadd.f32 v53, v4  }
0xae: {  	v59 =	vld [tilespmem:s17+$0x270E];
	v6 =	vadd.f32 v54, v7  }
0xaf: {  	v60 =	vld [tilespmem:s18+$0x270E];
	v4 =	vadd.f32 v55, v4  }
0xb0: {  	v61 =	vld [tilespmem:s17+$0x280F];
	v6 =	vadd.f32 v56, v6  }
0xb1: {  	v62 =	vld [tilespmem:s18+$0x280F];
	v4 =	vadd.f32 v57, v4  }
0xb2: {  	v6 =	vadd.f32 v58, v6  }
0xb3: {  	v4 =	vadd.f32 v59, v4  }
0xb4: {  	v3 =	vadd.f32 v3, v5;
	v63 =	vadd.f32 v60, v6  }
0xb5: {  	v4 =	vadd.f32 v61, v4  }
0xb6: {  	s15 =	sadd.s32 $0x1, s15;
	[tilespmem:s16+$0x2980] =	vst v3;
	v3 =	vadd.f32 v62, v63  }
0xb7: {  	p1 =	sne.s32 s15, s6;
	[tilespmem:s17+$0x2980] =	vst v4  }
.Ltmp5:
0xb8: {  	[tilespmem:s18+$0x2980] =	vst v3;
	(pc) =	sbr.rel @p1 .LBB2_1-.Ltmp5, $4  }
0xb9: {  	[hbm4b:s5+s11] =	stream.strided.scatter [tilespmem:s13], [sflag:$0x3], $0x100, s12, s11, $0x38;
	[tilespmem:$0x2A80] =	vst v63  }
0xba: {  	_ =	swait.ge [sflag:s14], $0x100  }
0xbb: {  	[sflag:s14] =	ssyncset.done $0x0  }
0xbc: {  	[sflag:s14] =	ssyncadd.s32 $0xFFFFFF00  }
0xbd: {  	_ =	sfence.sel $0x180000  }
0xbe: {  	[bflag:$0x0] =	sbarrier.arrive $0xFFFF  }
0xbf: {  	p0 =	sne.s32 s1, $0x0;
	_ =	strace $0x90000047  }
0xc0: {  	s0 =	sadd.s32 @!p0 $0x100000, s0;
	[bflag:$0x2] =	sbarrier.arrive $0xFFFF  }
0xc1: {  	[sflag:s0] =	ssyncadd.tile.s32 @!p0 $0x1;
	_ =	shalt  }
.Lfunc_end2:
_tile_overlayer_lowered:
.L_overlay_start_2:
0xc2: {  	(tag) =	ssettag $0x2  }
0xc3: {  	s0 =	rddreg [dreg:$0x0];
	s2 =	stileid.u32  }
0xc4: {  	s1 =	rddreg [dreg:$0x1];
	p0 =	sne.s32 s2, $0x0  }
0xc5: {  	s3 =	rddreg [dreg:$0x2];
	[bflag:$0x3] =	sbarrier.arrive $0xFFFF;
	s2 =	simm.s32 @!p0 $0x1C03  }
0xc6: {  	[timem:s3], [sflag:s2] =	dma.local @!p0 [hbm:s0], s1  }
0xc7: {  	s0 =	simm.s32 @!p0 $0x3  }
0xc8: {  	_ =	swait.ge @!p0 [sflag:s0], s1  }
0xc9: {  	s1 =	ssub.s32 @!p0 $0x0, s1;
	[sflag:s0] =	ssyncset.done @!p0 $0x0  }
0xca: {  	[sflag:s0] =	ssyncadd.s32 @!p0 s1  }
0xcb: {  	[bflag:$0x3] =	sbarrier.arrive $0xFFFF  }
0xcc: {  	_ =	shalt  }

</sc_bundles>
